<compile_context>
chip_gen: v7x
topology: tpu7x:2x2x1
jax: 0.10.2.dev20260603
libtpu: 0.0.44.dev20260713+nightly
codegen_flags: <defaults>
</compile_context>

<pallas_src>
import functools

import jax
import jax.numpy as jnp
from jax import lax
from jax.experimental import pallas as pl
from jax.experimental.pallas import tpu as pltpu
from jax.experimental.pallas import tpu_sc as plsc

_ROWS = 8192
_COLS = 1024

_SC_ROWS = 2048
_TC_ROWS = _ROWS - _SC_ROWS

_CHUNK = 128
_NCHUNK = _COLS // _CHUNK
_BR = 1024


def _tc_scan_block(x_ref, o_ref):
    ki = lax.broadcasted_iota(jnp.int32, (_CHUNK, _CHUNK), 0)
    ji = lax.broadcasted_iota(jnp.int32, (_CHUNK, _CHUNK), 1)
    w = jnp.where(ki < ji, 1.0, 0.0).astype(jnp.bfloat16)

    carry = jnp.zeros((_BR, 1), dtype=jnp.float32)
    for c in range(_NCHUNK):
        xc = x_ref[:, c * _CHUNK:(c + 1) * _CHUNK]
        within = lax.dot_general(
            xc.astype(jnp.bfloat16), w, (((1,), (0,)), ((), ())),
            preferred_element_type=jnp.float32,
        )
        out_c = within + carry
        if c == 0:
            lane = lax.broadcasted_iota(jnp.int32, (_BR, _CHUNK), 1)
            out_c = out_c + jnp.where(lane == 0, xc, 0.0)
        o_ref[:, c * _CHUNK:(c + 1) * _CHUNK] = out_c
        carry = carry + jnp.sum(xc, axis=1, keepdims=True)


def _tc_part(x):
    return pl.pallas_call(
        _tc_scan_block,
        grid=(_TC_ROWS // _BR,),
        in_specs=[pl.BlockSpec((_BR, _COLS), lambda i: (i, 0))],
        out_specs=pl.BlockSpec((_BR, _COLS), lambda i: (i, 0)),
        out_shape=jax.ShapeDtypeStruct((_ROWS, _COLS), jnp.float32),
    )(x)


_NC = 2
_NS = 16
_NW = _NC * _NS
_LANES = 16
_GROUPS = 2
_BLK = _GROUPS * _LANES
_ROWS_PER_W = _SC_ROWS // _NW
_NBLK = _ROWS_PER_W // _BLK


def _sc_body(x_hbm, o_hbm, ibuf, obuf):
    wid = lax.axis_index("c") * _NS + lax.axis_index("s")
    row0 = wid * _ROWS_PER_W

    lane = lax.broadcasted_iota(jnp.int32, (_LANES,), 0)
    ridx = [lane + g * _LANES for g in range(_GROUPS)]

    def block_body(b, _):
        base = row0 + b * _BLK
        pltpu.sync_copy(x_hbm.at[pl.ds(base, _BLK), :],
                        ibuf.at[:, pl.ds(0, _COLS)])

        zero = jnp.zeros((_LANES,), jnp.int32)
        accs = []
        for g in range(_GROUPS):
            v0 = plsc.load_gather(ibuf, [ridx[g], zero])
            plsc.store_scatter(obuf, [ridx[g], zero], v0)
            accs.append(v0)

        @plsc.parallel_loop(1, _COLS, step=1, unroll=8, carry=tuple(accs))
        def col_body(j, accs):
            cj = jnp.full((_LANES,), j, jnp.int32)
            out = []
            for g in range(_GROUPS):
                v = plsc.load_gather(ibuf, [ridx[g], cj])
                plsc.store_scatter(obuf, [ridx[g], cj], accs[g])
                out.append(accs[g] + v)
            return tuple(out)

        pltpu.sync_copy(obuf.at[:, pl.ds(0, _COLS)],
                        o_hbm.at[pl.ds(base, _BLK), :])
        return 0

    lax.fori_loop(0, _NBLK, block_body, 0)


def _sc_part(x_sc):
    mesh = plsc.VectorSubcoreMesh(
        core_axis_name="c", subcore_axis_name="s",
        num_cores=_NC, num_subcores=_NS,
    )
    f = functools.partial(
        pl.kernel,
        out_type=jax.ShapeDtypeStruct((_SC_ROWS, _COLS), jnp.float32),
        mesh=mesh,
        scratch_types=[pltpu.VMEM((_BLK, _COLS + 1), jnp.float32),
                       pltpu.VMEM((_BLK, _COLS + 1), jnp.float32)],
        compiler_params=pltpu.CompilerParams(
            use_tc_tiling_on_sc=False, needs_layout_passes=False),
    )(_sc_body)
    return f(x_sc)


def kernel(x):
    y_sc = _sc_part(lax.slice(x, (_TC_ROWS, 0), (_ROWS, _COLS)))
    y_tc = _tc_part(x)
    return lax.dynamic_update_slice(y_tc, y_sc, (_TC_ROWS, 0))

# --- scband reference (transcript-rebuilt; emitter-appended) ---
"""Pipeline reference for scband-model-new-4810363372168 (READ-ONLY COPY).

The authoritative reference and input builder live on the scoring server;
editing this copy changes nothing except your own understanding.
"""

import jax, jax.numpy as jnp
import numpy as np

def setup_inputs(seed: int = 0) -> dict:
    key = jax.random.key(seed)
    x = jax.random.normal(key, (8192, 1024), dtype=jnp.float32)
    return {"x": x}

def reference(x):
    # The CUDA kernel computes an INCLUSIVE prefix sum along dim=1
    # (despite the name 'exclusive_scan').
    scan_result = jnp.cumsum(x, axis=1)
    # dim == 1 branch of forward:
    # prefix = x[:, 0:1]; suffix = scan_result[:, 0:N-1]; cat along dim 1.
    prefix = x[:, :1]
    suffix = scan_result[:, :-1]
    combined = jnp.concatenate([prefix, suffix], axis=1)
    return combined

if __name__ == "__main__":
    import jax
    _d = setup_inputs()
    print(jax.jit(kernel)(*tuple(_d.values())))

</pallas_src>

<mosaic_0001>
#map = affine_map<(d0, d1) -> (0, 0)>
module attributes {stable_mosaic.version = 14 : i64} {
  func.func @_sc_body(%arg0: i32, %arg1: i32, %arg2: memref<2048x1024xf32, #tpu.memory_space<hbm>>, %arg3: memref<2048x1024xf32, #tpu.memory_space<hbm>>, %arg4: memref<32x1025xf32, #tpu.memory_space<vmem>>, %arg5: memref<32x1025xf32, #tpu.memory_space<vmem>>) attributes {dimension_semantics = [#tpu.dimension_semantics<core_parallel>, #tpu.dimension_semantics<subcore_parallel>], iteration_bounds = array<i64: 2, 16>, scalar_prefetch = 0 : i64, scratch_operands = 2 : i64, tpu.core_type = #tpu.core_type<sc_vector_subcore>, window_params = [{transform_indices = #map}, {transform_indices = #map}]} {
    %mul3A = arith.constant 16 : i32
    %mul3A_0 = arith.muli %arg0, %mul3A : i32
    %add3A = arith.addi %mul3A_0, %arg1 : i32
    %mul3A_1 = arith.constant 64 : i32
    %mul3A_2 = arith.muli %add3A, %mul3A_1 : i32
    %iota3A = tpu.iota {dimensions = array<i32: 0>} : vector<16xi32>
    %add3A_3 = arith.constant 0 : i32
    %add3A_4 = vector.broadcast %add3A_3 : i32 to vector<16xi32>
    %add3A_5 = arith.addi %iota3A, %add3A_4 : vector<16xi32>
    %add3A_6 = arith.constant 16 : i32
    %add3A_7 = vector.broadcast %add3A_6 : i32 to vector<16xi32>
    %add3A_8 = arith.addi %iota3A, %add3A_7 : vector<16xi32>
    %scan3A = arith.constant 0 : i32
    %scan3A_9 = arith.constant 0 : i32
    %scan3A_10 = arith.constant 2 : i32
    %scan3A_11 = arith.addi %scan3A_9, %scan3A_10 : i32
    %scan3A_12 = arith.constant 1 : i32
    %scan3A_13 = scf.for %scan3A_15 = %scan3A_9 to %scan3A_11 step %scan3A_12 iter_args(%scan3A_16 = %scan3A) -> (i32)  : i32 {
      %mul3A_17 = arith.constant 32 : i32
      %mul3A_18 = arith.muli %scan3A_15, %mul3A_17 : i32
      %add3A_19 = arith.addi %mul3A_2, %mul3A_18 : i32
      "tpu.region"() ({
        %run_scoped3A = tpu.sem_alloc : memref<!tpu.dma_semaphore, #tpu.memory_space<semaphore_mem>>
        %dma_start3A = arith.constant 0 : i32
        %dma_start3A_26 = arith.constant 0 : i32
        %dma_start3A_27 = tpu.memref_slice %arg4[%dma_start3A, %dma_start3A_26] : memref<32x1025xf32, #tpu.memory_space<vmem>> -> memref<32x1024xf32, #tpu.memory_space<vmem>>
        %dma_start3A_28 = arith.constant 0 : i32
        %dma_start3A_29 = tpu.memref_slice %arg2[%add3A_19, %dma_start3A_28] : memref<2048x1024xf32, #tpu.memory_space<hbm>> -> memref<32x1024xf32, #tpu.memory_space<hbm>>
        %dma_start3A_30 = arith.constant 0 : i32
        %dma_start3A_31 = arith.constant 0 : i32
        %dma_start3A_32 = tpu.memref_slice %arg4[%dma_start3A_30, %dma_start3A_31] : memref<32x1025xf32, #tpu.memory_space<vmem>> -> memref<32x1024xf32, #tpu.memory_space<vmem>>
        %dma_start3A_33 = arith.constant 0 : i32
        %dma_start3A_34 = tpu.memref_slice %arg2[%add3A_19, %dma_start3A_33] : memref<2048x1024xf32, #tpu.memory_space<hbm>> -> memref<32x1024xf32, #tpu.memory_space<hbm>>
        tpu.enqueue_dma source(%dma_start3A_34 : memref<32x1024xf32, #tpu.memory_space<hbm>>) target(%dma_start3A_32 : memref<32x1024xf32, #tpu.memory_space<vmem>>) target_semaphore(%run_scoped3A : memref<!tpu.dma_semaphore, #tpu.memory_space<semaphore_mem>>)
        %dma_wait3A = arith.constant 0 : i32
        %dma_wait3A_35 = arith.constant 0 : i32
        %dma_wait3A_36 = tpu.memref_slice %arg4[%dma_wait3A, %dma_wait3A_35] : memref<32x1025xf32, #tpu.memory_space<vmem>> -> memref<32x1024xf32, #tpu.memory_space<vmem>>
        %dma_wait3A_37 = arith.constant 0 : i32
        %dma_wait3A_38 = tpu.memref_slice %arg2[%add3A_19, %dma_wait3A_37] : memref<2048x1024xf32, #tpu.memory_space<hbm>> -> memref<32x1024xf32, #tpu.memory_space<hbm>>
        %dma_wait3A_39 = arith.constant 0 : i32
        %dma_wait3A_40 = arith.constant 0 : i32
        %dma_wait3A_41 = tpu.memref_slice %arg4[%dma_wait3A_39, %dma_wait3A_40] : memref<32x1025xf32, #tpu.memory_space<vmem>> -> memref<32x1024xf32, #tpu.memory_space<vmem>>
        %dma_wait3A_42 = arith.constant 0 : i32
        %dma_wait3A_43 = tpu.memref_slice %arg2[%add3A_19, %dma_wait3A_42] : memref<2048x1024xf32, #tpu.memory_space<hbm>> -> memref<32x1024xf32, #tpu.memory_space<hbm>>
        tpu.wait_dma2 semaphore(%run_scoped3A : memref<!tpu.dma_semaphore, #tpu.memory_space<semaphore_mem>>) src(%dma_wait3A_43 : memref<32x1024xf32, #tpu.memory_space<hbm>>) dst(%dma_wait3A_41 : memref<32x1024xf32, #tpu.memory_space<vmem>>)
        tpu.yield
      }) : () -> ()
      %broadcast_in_dim3A = arith.constant 0 : i32
      %broadcast_in_dim3A_20 = vector.broadcast %broadcast_in_dim3A : i32 to vector<16xi32>
      %gather3A = tpu.vector_load_idx %arg4[%add3A_5, %broadcast_in_dim3A_20] : memref<32x1025xf32, #tpu.memory_space<vmem>>[vector<16xi32>, vector<16xi32>], vector<16xf32>,
      tpu.vector_store_idx %arg5[%add3A_5, %broadcast_in_dim3A_20], %gather3A : memref<32x1025xf32, #tpu.memory_space<vmem>>[vector<16xi32>, vector<16xi32>], vector<16xf32>,
      %gather3A_21 = tpu.vector_load_idx %arg4[%add3A_8, %broadcast_in_dim3A_20] : memref<32x1025xf32, #tpu.memory_space<vmem>>[vector<16xi32>, vector<16xi32>], vector<16xf32>,
      tpu.vector_store_idx %arg5[%add3A_8, %broadcast_in_dim3A_20], %gather3A_21 : memref<32x1025xf32, #tpu.memory_space<vmem>>[vector<16xi32>, vector<16xi32>], vector<16xf32>,
      %parallel_loop3A = arith.constant 1 : i32
      %parallel_loop3A_22 = arith.constant 1024 : i32
      %parallel_loop3A_23 = arith.constant 1 : i32
      %parallel_loop3A_24:2 = scf.for %parallel_loop3A_26 = %parallel_loop3A to %parallel_loop3A_22 step %parallel_loop3A_23 iter_args(%parallel_loop3A_27 = %gather3A, %parallel_loop3A_28 = %gather3A_21) -> (vector<16xf32>, vector<16xf32>)  : i32 {
        %parallel_loop3A_29 = vector.broadcast %parallel_loop3A_26 : i32 to vector<16xi32>
        %parallel_loop3A_30 = tpu.vector_load_idx %arg4[%add3A_5, %parallel_loop3A_29] : memref<32x1025xf32, #tpu.memory_space<vmem>>[vector<16xi32>, vector<16xi32>], vector<16xf32>,
        tpu.vector_store_idx %arg5[%add3A_5, %parallel_loop3A_29], %parallel_loop3A_27 : memref<32x1025xf32, #tpu.memory_space<vmem>>[vector<16xi32>, vector<16xi32>], vector<16xf32>,
        %parallel_loop3A_31 = arith.addf %parallel_loop3A_27, %parallel_loop3A_30 : vector<16xf32>
        %parallel_loop3A_32 = tpu.vector_load_idx %arg4[%add3A_8, %parallel_loop3A_29] : memref<32x1025xf32, #tpu.memory_space<vmem>>[vector<16xi32>, vector<16xi32>], vector<16xf32>,
        tpu.vector_store_idx %arg5[%add3A_8, %parallel_loop3A_29], %parallel_loop3A_28 : memref<32x1025xf32, #tpu.memory_space<vmem>>[vector<16xi32>, vector<16xi32>], vector<16xf32>,
        %parallel_loop3A_33 = arith.addf %parallel_loop3A_28, %parallel_loop3A_32 : vector<16xf32>
        scf.yield %parallel_loop3A_31, %parallel_loop3A_33 : vector<16xf32>, vector<16xf32>
      } {sc.loop_unroll_factor = 8 : i64, sc.parallel_access}
      "tpu.region"() ({
        %run_scoped3A = tpu.sem_alloc : memref<!tpu.dma_semaphore, #tpu.memory_space<semaphore_mem>>
        %dma_start3A = arith.constant 0 : i32
        %dma_start3A_26 = arith.constant 0 : i32
        %dma_start3A_27 = tpu.memref_slice %arg5[%dma_start3A, %dma_start3A_26] : memref<32x1025xf32, #tpu.memory_space<vmem>> -> memref<32x1024xf32, #tpu.memory_space<vmem>>
        %dma_start3A_28 = arith.constant 0 : i32
        %dma_start3A_29 = tpu.memref_slice %arg3[%add3A_19, %dma_start3A_28] : memref<2048x1024xf32, #tpu.memory_space<hbm>> -> memref<32x1024xf32, #tpu.memory_space<hbm>>
        %dma_start3A_30 = arith.constant 0 : i32
        %dma_start3A_31 = tpu.memref_slice %arg3[%add3A_19, %dma_start3A_30] : memref<2048x1024xf32, #tpu.memory_space<hbm>> -> memref<32x1024xf32, #tpu.memory_space<hbm>>
        %dma_start3A_32 = arith.constant 0 : i32
        %dma_start3A_33 = arith.constant 0 : i32
        %dma_start3A_34 = tpu.memref_slice %arg5[%dma_start3A_32, %dma_start3A_33] : memref<32x1025xf32, #tpu.memory_space<vmem>> -> memref<32x1024xf32, #tpu.memory_space<vmem>>
        tpu.enqueue_dma source(%dma_start3A_34 : memref<32x1024xf32, #tpu.memory_space<vmem>>) target(%dma_start3A_31 : memref<32x1024xf32, #tpu.memory_space<hbm>>) target_semaphore(%run_scoped3A : memref<!tpu.dma_semaphore, #tpu.memory_space<semaphore_mem>>)
        %dma_wait3A = arith.constant 0 : i32
        %dma_wait3A_35 = arith.constant 0 : i32
        %dma_wait3A_36 = tpu.memref_slice %arg5[%dma_wait3A, %dma_wait3A_35] : memref<32x1025xf32, #tpu.memory_space<vmem>> -> memref<32x1024xf32, #tpu.memory_space<vmem>>
        %dma_wait3A_37 = arith.constant 0 : i32
        %dma_wait3A_38 = tpu.memref_slice %arg3[%add3A_19, %dma_wait3A_37] : memref<2048x1024xf32, #tpu.memory_space<hbm>> -> memref<32x1024xf32, #tpu.memory_space<hbm>>
        %dma_wait3A_39 = arith.constant 0 : i32
        %dma_wait3A_40 = tpu.memref_slice %arg3[%add3A_19, %dma_wait3A_39] : memref<2048x1024xf32, #tpu.memory_space<hbm>> -> memref<32x1024xf32, #tpu.memory_space<hbm>>
        %dma_wait3A_41 = arith.constant 0 : i32
        %dma_wait3A_42 = arith.constant 0 : i32
        %dma_wait3A_43 = tpu.memref_slice %arg5[%dma_wait3A_41, %dma_wait3A_42] : memref<32x1025xf32, #tpu.memory_space<vmem>> -> memref<32x1024xf32, #tpu.memory_space<vmem>>
        tpu.wait_dma2 semaphore(%run_scoped3A : memref<!tpu.dma_semaphore, #tpu.memory_space<semaphore_mem>>) src(%dma_wait3A_43 : memref<32x1024xf32, #tpu.memory_space<vmem>>) dst(%dma_wait3A_40 : memref<32x1024xf32, #tpu.memory_space<hbm>>)
        tpu.yield
      }) : () -> ()
      %scan3A_25 = arith.constant 0 : i32
      scf.yield %scan3A_25 : i32
    }
    %scan3A_14 = arith.constant 2 : i32
    return
  }
}

module attributes {stable_mosaic.version = 14 : i64} {
  func.func @_tc_scan_block(%arg0: i32, %arg1: memref<1024x1024xf32, #tpu.memory_space<vmem>>, %arg2: memref<1024x1024xf32, #tpu.memory_space<vmem>>) attributes {dimension_semantics = [#tpu.dimension_semantics<arbitrary>], iteration_bounds = array<i64: 6>, scalar_prefetch = 0 : i64, scratch_operands = 0 : i64, tpu.core_type = #tpu.core_type<tc>, window_params = [{transform_indices = @transform_0, window_bounds = array<i64: 1024, 1024>}, {transform_indices = @transform_1, window_bounds = array<i64: 1024, 1024>}]} {
    %iota3A = tpu.iota {dimensions = array<i32: 0>} : vector<128x128xi32>
    %iota3A_0 = tpu.iota {dimensions = array<i32: 1>} : vector<128x128xi32>
    %lt3A = arith.cmpi slt, %iota3A, %iota3A_0 : vector<128x128xi32>
    %jit3A = arith.constant 1.000000e+00 : f32
    %jit3A_1 = arith.constant 0.000000e+00 : f32
    %broadcast_in_dim3A = vector.broadcast %jit3A : f32 to vector<128x128xf32>
    %broadcast_in_dim3A_2 = vector.broadcast %jit3A_1 : f32 to vector<128x128xf32>
    %select_n3A = arith.select %lt3A, %broadcast_in_dim3A, %broadcast_in_dim3A_2 : vector<128x128xi1>, vector<128x128xf32>
    %convert_element_type3A = arith.truncf %select_n3A : vector<128x128xf32> to vector<128x128xbf16>
    %broadcast_in_dim3A_3 = arith.constant 0.000000e+00 : f32
    %broadcast_in_dim3A_4 = vector.broadcast %broadcast_in_dim3A_3 : f32 to vector<1024x1xf32>
    %get3A = arith.constant 0 : index
    %get3A_5 = arith.constant 0 : index
    %get3A_6 = vector.load %arg1[%get3A, %get3A_5] : memref<1024x1024xf32, #tpu.memory_space<vmem>>, vector<1024x128xf32>
    %convert_element_type3A_7 = arith.truncf %get3A_6 : vector<1024x128xf32> to vector<1024x128xbf16>
    %dot_general3A = arith.constant dense<0.000000e+00> : vector<1024x128xf32>
    %dot_general3A_8 = tpu.matmul %convert_element_type3A_7, %convert_element_type3A, %dot_general3A {dimension_numbers = #tpu.dot_dimension_numbers<[1], [0], [0], [1], [0, 0, 1, 1], [], []>, transpose_lhs_hint = false} : vector<1024x128xbf16>, vector<128x128xbf16>, vector<1024x128xf32> -> vector<1024x128xf32>
    %add3A = vector.broadcast %broadcast_in_dim3A_4 : vector<1024x1xf32> to vector<1024x128xf32>
    %add3A_9 = arith.addf %dot_general3A_8, %add3A : vector<1024x128xf32>
    %iota3A_10 = tpu.iota {dimensions = array<i32: 1>} : vector<1024x128xi32>
    %eq3A = arith.constant 0 : i32
    %eq3A_11 = vector.broadcast %eq3A : i32 to vector<1024x128xi32>
    %eq3A_12 = arith.cmpi eq, %iota3A_10, %eq3A_11 : vector<1024x128xi32>
    %jit3A_13 = arith.constant 0.000000e+00 : f32
    %broadcast_in_dim3A_14 = vector.broadcast %jit3A_13 : f32 to vector<1024x128xf32>
    %select_n3A_15 = arith.select %eq3A_12, %get3A_6, %broadcast_in_dim3A_14 : vector<1024x128xi1>, vector<1024x128xf32>
    %add3A_16 = arith.addf %add3A_9, %select_n3A_15 : vector<1024x128xf32>
    %swap3A = arith.constant 0 : index
    %swap3A_17 = arith.constant 0 : index
    %swap3A_18 = vector.load %arg2[%swap3A, %swap3A_17] : memref<1024x1024xf32, #tpu.memory_space<vmem>>, vector<1024x128xf32>
    tpu.vector_store %arg2[%swap3A, %swap3A_17], %add3A_16 {strides = array<i32>} : memref<1024x1024xf32, #tpu.memory_space<vmem>>, vector<1024x128xf32>,
    %reduce_sum3A = arith.constant dense<0.000000e+00> : vector<1024xf32>
    %reduce_sum3A_19 = vector.multi_reduction <add>, %get3A_6, %reduce_sum3A [1] : vector<1024x128xf32> to vector<1024xf32>
    %broadcast_in_dim3A_20 = vector.shape_cast %reduce_sum3A_19 : vector<1024xf32> to vector<1024x1xf32>
    %add3A_21 = arith.addf %broadcast_in_dim3A_4, %broadcast_in_dim3A_20 : vector<1024x1xf32>
    %get3A_22 = arith.constant 0 : index
    %get3A_23 = arith.constant 128 : index
    %get3A_24 = vector.load %arg1[%get3A_22, %get3A_23] : memref<1024x1024xf32, #tpu.memory_space<vmem>>, vector<1024x128xf32>
    %convert_element_type3A_25 = arith.truncf %get3A_24 : vector<1024x128xf32> to vector<1024x128xbf16>
    %dot_general3A_26 = arith.constant dense<0.000000e+00> : vector<1024x128xf32>
    %dot_general3A_27 = tpu.matmul %convert_element_type3A_25, %convert_element_type3A, %dot_general3A_26 {dimension_numbers = #tpu.dot_dimension_numbers<[1], [0], [0], [1], [0, 0, 1, 1], [], []>, transpose_lhs_hint = false} : vector<1024x128xbf16>, vector<128x128xbf16>, vector<1024x128xf32> -> vector<1024x128xf32>
    %add3A_28 = vector.broadcast %add3A_21 : vector<1024x1xf32> to vector<1024x128xf32>
    %add3A_29 = arith.addf %dot_general3A_27, %add3A_28 : vector<1024x128xf32>
    %swap3A_30 = arith.constant 0 : index
    %swap3A_31 = arith.constant 128 : index
    %swap3A_32 = vector.load %arg2[%swap3A_30, %swap3A_31] : memref<1024x1024xf32, #tpu.memory_space<vmem>>, vector<1024x128xf32>
    tpu.vector_store %arg2[%swap3A_30, %swap3A_31], %add3A_29 {strides = array<i32>} : memref<1024x1024xf32, #tpu.memory_space<vmem>>, vector<1024x128xf32>,
    %reduce_sum3A_33 = arith.constant dense<0.000000e+00> : vector<1024xf32>
    %reduce_sum3A_34 = vector.multi_reduction <add>, %get3A_24, %reduce_sum3A_33 [1] : vector<1024x128xf32> to vector<1024xf32>
    %broadcast_in_dim3A_35 = vector.shape_cast %reduce_sum3A_34 : vector<1024xf32> to vector<1024x1xf32>
    %add3A_36 = arith.addf %add3A_21, %broadcast_in_dim3A_35 : vector<1024x1xf32>
    %get3A_37 = arith.constant 0 : index
    %get3A_38 = arith.constant 256 : index
    %get3A_39 = vector.load %arg1[%get3A_37, %get3A_38] : memref<1024x1024xf32, #tpu.memory_space<vmem>>, vector<1024x128xf32>
    %convert_element_type3A_40 = arith.truncf %get3A_39 : vector<1024x128xf32> to vector<1024x128xbf16>
    %dot_general3A_41 = arith.constant dense<0.000000e+00> : vector<1024x128xf32>
    %dot_general3A_42 = tpu.matmul %convert_element_type3A_40, %convert_element_type3A, %dot_general3A_41 {dimension_numbers = #tpu.dot_dimension_numbers<[1], [0], [0], [1], [0, 0, 1, 1], [], []>, transpose_lhs_hint = false} : vector<1024x128xbf16>, vector<128x128xbf16>, vector<1024x128xf32> -> vector<1024x128xf32>
    %add3A_43 = vector.broadcast %add3A_36 : vector<1024x1xf32> to vector<1024x128xf32>
    %add3A_44 = arith.addf %dot_general3A_42, %add3A_43 : vector<1024x128xf32>
    %swap3A_45 = arith.constant 0 : index
    %swap3A_46 = arith.constant 256 : index
    %swap3A_47 = vector.load %arg2[%swap3A_45, %swap3A_46] : memref<1024x1024xf32, #tpu.memory_space<vmem>>, vector<1024x128xf32>
    tpu.vector_store %arg2[%swap3A_45, %swap3A_46], %add3A_44 {strides = array<i32>} : memref<1024x1024xf32, #tpu.memory_space<vmem>>, vector<1024x128xf32>,
    %reduce_sum3A_48 = arith.constant dense<0.000000e+00> : vector<1024xf32>
    %reduce_sum3A_49 = vector.multi_reduction <add>, %get3A_39, %reduce_sum3A_48 [1] : vector<1024x128xf32> to vector<1024xf32>
    %broadcast_in_dim3A_50 = vector.shape_cast %reduce_sum3A_49 : vector<1024xf32> to vector<1024x1xf32>
    %add3A_51 = arith.addf %add3A_36, %broadcast_in_dim3A_50 : vector<1024x1xf32>
    %get3A_52 = arith.constant 0 : index
    %get3A_53 = arith.constant 384 : index
    %get3A_54 = vector.load %arg1[%get3A_52, %get3A_53] : memref<1024x1024xf32, #tpu.memory_space<vmem>>, vector<1024x128xf32>
    %convert_element_type3A_55 = arith.truncf %get3A_54 : vector<1024x128xf32> to vector<1024x128xbf16>
    %dot_general3A_56 = arith.constant dense<0.000000e+00> : vector<1024x128xf32>
    %dot_general3A_57 = tpu.matmul %convert_element_type3A_55, %convert_element_type3A, %dot_general3A_56 {dimension_numbers = #tpu.dot_dimension_numbers<[1], [0], [0], [1], [0, 0, 1, 1], [], []>, transpose_lhs_hint = false} : vector<1024x128xbf16>, vector<128x128xbf16>, vector<1024x128xf32> -> vector<1024x128xf32>
    %add3A_58 = vector.broadcast %add3A_51 : vector<1024x1xf32> to vector<1024x128xf32>
    %add3A_59 = arith.addf %dot_general3A_57, %add3A_58 : vector<1024x128xf32>
    %swap3A_60 = arith.constant 0 : index
    %swap3A_61 = arith.constant 384 : index
    %swap3A_62 = vector.load %arg2[%swap3A_60, %swap3A_61] : memref<1024x1024xf32, #tpu.memory_space<vmem>>, vector<1024x128xf32>
    tpu.vector_store %arg2[%swap3A_60, %swap3A_61], %add3A_59 {strides = array<i32>} : memref<1024x1024xf32, #tpu.memory_space<vmem>>, vector<1024x128xf32>,
    %reduce_sum3A_63 = arith.constant dense<0.000000e+00> : vector<1024xf32>
    %reduce_sum3A_64 = vector.multi_reduction <add>, %get3A_54, %reduce_sum3A_63 [1] : vector<1024x128xf32> to vector<1024xf32>
    %broadcast_in_dim3A_65 = vector.shape_cast %reduce_sum3A_64 : vector<1024xf32> to vector<1024x1xf32>
    %add3A_66 = arith.addf %add3A_51, %broadcast_in_dim3A_65 : vector<1024x1xf32>
    %get3A_67 = arith.constant 0 : index
    %get3A_68 = arith.constant 512 : index
    %get3A_69 = vector.load %arg1[%get3A_67, %get3A_68] : memref<1024x1024xf32, #tpu.memory_space<vmem>>, vector<1024x128xf32>
    %convert_element_type3A_70 = arith.truncf %get3A_69 : vector<1024x128xf32> to vector<1024x128xbf16>
    %dot_general3A_71 = arith.constant dense<0.000000e+00> : vector<1024x128xf32>
    %dot_general3A_72 = tpu.matmul %convert_element_type3A_70, %convert_element_type3A, %dot_general3A_71 {dimension_numbers = #tpu.dot_dimension_numbers<[1], [0], [0], [1], [0, 0, 1, 1], [], []>, transpose_lhs_hint = false} : vector<1024x128xbf16>, vector<128x128xbf16>, vector<1024x128xf32> -> vector<1024x128xf32>
    %add3A_73 = vector.broadcast %add3A_66 : vector<1024x1xf32> to vector<1024x128xf32>
    %add3A_74 = arith.addf %dot_general3A_72, %add3A_73 : vector<1024x128xf32>
    %swap3A_75 = arith.constant 0 : index
    %swap3A_76 = arith.constant 512 : index
    %swap3A_77 = vector.load %arg2[%swap3A_75, %swap3A_76] : memref<1024x1024xf32, #tpu.memory_space<vmem>>, vector<1024x128xf32>
    tpu.vector_store %arg2[%swap3A_75, %swap3A_76], %add3A_74 {strides = array<i32>} : memref<1024x1024xf32, #tpu.memory_space<vmem>>, vector<1024x128xf32>,
    %reduce_sum3A_78 = arith.constant dense<0.000000e+00> : vector<1024xf32>
    %reduce_sum3A_79 = vector.multi_reduction <add>, %get3A_69, %reduce_sum3A_78 [1] : vector<1024x128xf32> to vector<1024xf32>
    %broadcast_in_dim3A_80 = vector.shape_cast %reduce_sum3A_79 : vector<1024xf32> to vector<1024x1xf32>
    %add3A_81 = arith.addf %add3A_66, %broadcast_in_dim3A_80 : vector<1024x1xf32>
    %get3A_82 = arith.constant 0 : index
    %get3A_83 = arith.constant 640 : index
    %get3A_84 = vector.load %arg1[%get3A_82, %get3A_83] : memref<1024x1024xf32, #tpu.memory_space<vmem>>, vector<1024x128xf32>
    %convert_element_type3A_85 = arith.truncf %get3A_84 : vector<1024x128xf32> to vector<1024x128xbf16>
    %dot_general3A_86 = arith.constant dense<0.000000e+00> : vector<1024x128xf32>
    %dot_general3A_87 = tpu.matmul %convert_element_type3A_85, %convert_element_type3A, %dot_general3A_86 {dimension_numbers = #tpu.dot_dimension_numbers<[1], [0], [0], [1], [0, 0, 1, 1], [], []>, transpose_lhs_hint = false} : vector<1024x128xbf16>, vector<128x128xbf16>, vector<1024x128xf32> -> vector<1024x128xf32>
    %add3A_88 = vector.broadcast %add3A_81 : vector<1024x1xf32> to vector<1024x128xf32>
    %add3A_89 = arith.addf %dot_general3A_87, %add3A_88 : vector<1024x128xf32>
    %swap3A_90 = arith.constant 0 : index
    %swap3A_91 = arith.constant 640 : index
    %swap3A_92 = vector.load %arg2[%swap3A_90, %swap3A_91] : memref<1024x1024xf32, #tpu.memory_space<vmem>>, vector<1024x128xf32>
    tpu.vector_store %arg2[%swap3A_90, %swap3A_91], %add3A_89 {strides = array<i32>} : memref<1024x1024xf32, #tpu.memory_space<vmem>>, vector<1024x128xf32>,
    %reduce_sum3A_93 = arith.constant dense<0.000000e+00> : vector<1024xf32>
    %reduce_sum3A_94 = vector.multi_reduction <add>, %get3A_84, %reduce_sum3A_93 [1] : vector<1024x128xf32> to vector<1024xf32>
    %broadcast_in_dim3A_95 = vector.shape_cast %reduce_sum3A_94 : vector<1024xf32> to vector<1024x1xf32>
    %add3A_96 = arith.addf %add3A_81, %broadcast_in_dim3A_95 : vector<1024x1xf32>
    %get3A_97 = arith.constant 0 : index
    %get3A_98 = arith.constant 768 : index
    %get3A_99 = vector.load %arg1[%get3A_97, %get3A_98] : memref<1024x1024xf32, #tpu.memory_space<vmem>>, vector<1024x128xf32>
    %convert_element_type3A_100 = arith.truncf %get3A_99 : vector<1024x128xf32> to vector<1024x128xbf16>
    %dot_general3A_101 = arith.constant dense<0.000000e+00> : vector<1024x128xf32>
    %dot_general3A_102 = tpu.matmul %convert_element_type3A_100, %convert_element_type3A, %dot_general3A_101 {dimension_numbers = #tpu.dot_dimension_numbers<[1], [0], [0], [1], [0, 0, 1, 1], [], []>, transpose_lhs_hint = false} : vector<1024x128xbf16>, vector<128x128xbf16>, vector<1024x128xf32> -> vector<1024x128xf32>
    %add3A_103 = vector.broadcast %add3A_96 : vector<1024x1xf32> to vector<1024x128xf32>
    %add3A_104 = arith.addf %dot_general3A_102, %add3A_103 : vector<1024x128xf32>
    %swap3A_105 = arith.constant 0 : index
    %swap3A_106 = arith.constant 768 : index
    %swap3A_107 = vector.load %arg2[%swap3A_105, %swap3A_106] : memref<1024x1024xf32, #tpu.memory_space<vmem>>, vector<1024x128xf32>
    tpu.vector_store %arg2[%swap3A_105, %swap3A_106], %add3A_104 {strides = array<i32>} : memref<1024x1024xf32, #tpu.memory_space<vmem>>, vector<1024x128xf32>,
    %reduce_sum3A_108 = arith.constant dense<0.000000e+00> : vector<1024xf32>
    %reduce_sum3A_109 = vector.multi_reduction <add>, %get3A_99, %reduce_sum3A_108 [1] : vector<1024x128xf32> to vector<1024xf32>
    %broadcast_in_dim3A_110 = vector.shape_cast %reduce_sum3A_109 : vector<1024xf32> to vector<1024x1xf32>
    %add3A_111 = arith.addf %add3A_96, %broadcast_in_dim3A_110 : vector<1024x1xf32>
    %get3A_112 = arith.constant 0 : index
    %get3A_113 = arith.constant 896 : index
    %get3A_114 = vector.load %arg1[%get3A_112, %get3A_113] : memref<1024x1024xf32, #tpu.memory_space<vmem>>, vector<1024x128xf32>
    %convert_element_type3A_115 = arith.truncf %get3A_114 : vector<1024x128xf32> to vector<1024x128xbf16>
    %dot_general3A_116 = arith.constant dense<0.000000e+00> : vector<1024x128xf32>
    %dot_general3A_117 = tpu.matmul %convert_element_type3A_115, %convert_element_type3A, %dot_general3A_116 {dimension_numbers = #tpu.dot_dimension_numbers<[1], [0], [0], [1], [0, 0, 1, 1], [], []>, transpose_lhs_hint = false} : vector<1024x128xbf16>, vector<128x128xbf16>, vector<1024x128xf32> -> vector<1024x128xf32>
    %add3A_118 = vector.broadcast %add3A_111 : vector<1024x1xf32> to vector<1024x128xf32>
    %add3A_119 = arith.addf %dot_general3A_117, %add3A_118 : vector<1024x128xf32>
    %swap3A_120 = arith.constant 0 : index
    %swap3A_121 = arith.constant 896 : index
    %swap3A_122 = vector.load %arg2[%swap3A_120, %swap3A_121] : memref<1024x1024xf32, #tpu.memory_space<vmem>>, vector<1024x128xf32>
    tpu.vector_store %arg2[%swap3A_120, %swap3A_121], %add3A_119 {strides = array<i32>} : memref<1024x1024xf32, #tpu.memory_space<vmem>>, vector<1024x128xf32>,
    return
  }
  func.func @transform_0(%arg0: i32) -> (i32, i32) {
    %c0_i32 = arith.constant 0 : i32
    %c0_i32_0 = arith.constant 0 : i32
    return %arg0, %c0_i32 : i32, i32
  }
  func.func @transform_1(%arg0: i32) -> (i32, i32) {
    %c0_i32 = arith.constant 0 : i32
    %c0_i32_0 = arith.constant 0 : i32
    return %arg0, %c0_i32 : i32, i32
  }
}

</mosaic_0001>

<sc_bundles>
// kernel: kernel.4.cloned.1.call-start
scs
__scs_entry_jumppad:
0x0: {  	(pc) =	sbr.rel $0x88, $3  }
0x1: {  	(tag) =	ssettag $0x0;
	lr =	simm.s32 $0x1  }
0x2: {  	[smem:$0x3FA0] =	sst lr;
	_ =	strace $0xD0000000  }
0x3: {  	_ = 	snop  }
0x4: {  	_ = 	snop  }
0x5: {  	_ = 	snop  }
0x6: {  	_ = 	snop  }
0x7: {  	_ = 	snop  }
__scs_overlays_trampoline_lowered:
0x8: {  	[smem:$0x3FAF] =	sst s0  }
0x9: {  	[smem:$0x3FB0] =	sst s1  }
0xa: {  	[smem:$0x3FB1] =	sst s2  }
0xb: {  	[smem:$0x3FB2] =	sst s3  }
0xc: {  	[smem:$0x3FB3] =	sst s4  }
0xd: {  	[smem:$0x3FB4] =	sst s5  }
0xe: {  	[smem:$0x3FB5] =	sst s6  }
0xf: {  	[smem:$0x3FB6] =	sst s7  }
0x10: {  	[smem:$0x3FB7] =	sst s8  }
0x11: {  	[smem:$0x3FB8] =	sst s9;
	s0 =	simm.s32 @!p0 $0x0  }
0x12: {  	s1 =	sld [smem:$0x3F9E];
	s0 =	simm.s32 @p0 $0x1  }
0x13: {  	[smem:$0x3FB9] =	sst s0;
	s0 =	simm.s32 @!p1 $0x0  }
0x14: {  	s2 =	sld [smem:$0x3F9D];
	s0 =	simm.s32 @p1 $0x1  }
0x15: {  	[smem:$0x3FBA] =	sst s0;
	s0 =	simm.s32 @!p2 $0x0  }
0x16: {  	s3 =	sld [smem:$0x3FDB];
	s0 =	simm.s32 @p2 $0x1  }
0x17: {  	s4 =	simm.s32 $0x1BF5;
	[smem:$0x3FBC] =	sst s0  }
0x18: {  	s0 =	sld [smem:$0x3F9F];
	_ =	swait.ge [sflag:s4], $0x0  }
0x19: {  	s7 =	sld [smem:$0x3FA0]  }
0x1a: {  	s8 =	sadd.s32 $0xFFFFE003, lr  }
0x1b: {  	s9 =	sadd.s32 $0xFFFFFEF7, lr;
	s5 =	simm.s32 $0xFFFFFFFF;
	p2 =	slt.u32 s8, $0xFFFFF086  }
0x1c: {  	p1 =	slt.u32 s9, $0xF7A;
	s5 =	simm.s32 @!p2 $0x0  }
0x1d: {  	s5 =	simm.s32 @p1 $0x1;
	p0 =	seq.s32 s7, s2  }
0x1e: {  	s7 =	smul.u32 @!p0 $0xF7A, s2;
	p2 =	seq.s32 @!p0 s5, $0x0  }
0x1f: {  	s9 =	smul.u32 $0xF7A, s1;
	s8 =	simm.s32 @!p0 $0x1BF5;
	p2 =	por !p2, p0  }
0x20: {  	[sflag:s8] =	ssyncset.s32 @!p0 $0xFFFFF086;
	s6 =	sadd.s32 @!p0 s3, s7;
	s7 =	simm.s32 @!p0 $0x108  }
0x21: {  	s3 =	sadd.s32 s3, s9;
	s6 =	sadd.s32 @!p0 $0x88, s6;
	s7 =	simm.s32 @p2 $0x1082  }
0x22: {  	[simem:s7], [sflag:s8] =	dma.local @!p0 [hbm:s6], $0xF7A  }
0x23: {  	s9 =	sor.u32 $0xD0000000, s2;
	s6 =	simm.s32 $0x108;
	_ =	swait.ge @!p0 [sflag:s8], $0x0  }
0x24: {  	s3 =	sadd.s32 $0x88, s3;
	s6 =	simm.s32 @!p1 $0x1082;
	[sflag:s4] =	ssyncset.s32 $0xFFFFF086  }
0x25: {  	[simem:s6], [sflag:s4] =	dma.local [hbm:s3], $0xF7A  }
0x26: {  	[smem:$0x3FA0] =	sst s1;
	(tag) =	ssettag s2;
	_ =	strace s9  }
0x27: {  	s1 =	sld [smem:$0x3FB0]  }
0x28: {  	s2 =	sld [smem:$0x3FB1]  }
0x29: {  	s4 =	sld [smem:$0x3FB3]  }
0x2a: {  	p0 =	seq.s32 s5, $0x0;
	s5 =	sld [smem:$0x3FB4]  }
0x2b: {  	s6 =	sld [smem:$0x3FB5]  }
0x2c: {  	s7 =	sld [smem:$0x3FB6]  }
0x2d: {  	s3 =	simm.s32 $0x108;
	s8 =	sld [smem:$0x3FB7]  }
0x2e: {  	s3 =	simm.s32 @!p0 $0x1082;
	s9 =	sld [smem:$0x3FB8]  }
0x2f: {  	lr =	sadd.s32 s0, s3;
	s0 =	sld [smem:$0x3FAF]  }
0x30: {  	s3 =	sld [smem:$0x3FB2]  }
0x31: {  	[smem:$0x3FBB] =	sst s10  }
0x32: {  	s10 =	sld [smem:$0x3FB9];
	_ =	sdelay $0x3  }
0x33: {  	p0 =	seq.s32 s10, $0x1;
	s10 =	sld [smem:$0x3FBB];
	_ =	sdelay $0x3  }
0x34: {  	[smem:$0x3FBB] =	sst s10  }
0x35: {  	s10 =	sld [smem:$0x3FBA];
	_ =	sdelay $0x3  }
0x36: {  	p1 =	seq.s32 s10, $0x1;
	s10 =	sld [smem:$0x3FBB];
	_ =	sdelay $0x3  }
0x37: {  	[smem:$0x3FBB] =	sst s10  }
0x38: {  	s10 =	sld [smem:$0x3FBC]  }
0x39: {  	_ = 	snop;
	(pc) =	sbr.ind lr, $3  }
0x3a: {  	_ = 	snop  }
0x3b: {  	_ = 	snop  }
0x3c: {  	p2 =	seq.s32 s10, $0x1;
	s10 =	sld [smem:$0x3FBB]  }
0x3d: {  	_ =	shalt  }
0x3e: {  	_ =	shalt  }
0x3f: {  	_ =	shalt  }
0x40: {  	_ =	shalt  }
0x41: {  	_ =	shalt  }
0x42: {  	_ =	shalt  }
0x43: {  	_ =	shalt  }
0x44: {  	_ =	shalt  }
0x45: {  	_ =	shalt  }
0x46: {  	_ =	shalt  }
0x47: {  	_ =	shalt  }
0x48: {  	_ =	shalt  }
0x49: {  	_ =	shalt  }
0x4a: {  	_ =	shalt  }
0x4b: {  	_ =	shalt  }
0x4c: {  	_ =	shalt  }
0x4d: {  	_ =	shalt  }
0x4e: {  	_ =	shalt  }
0x4f: {  	_ =	shalt  }
0x50: {  	_ =	shalt  }
0x51: {  	_ =	shalt  }
0x52: {  	_ =	shalt  }
0x53: {  	_ =	shalt  }
0x54: {  	_ =	shalt  }
0x55: {  	_ =	shalt  }
0x56: {  	_ =	shalt  }
0x57: {  	_ =	shalt  }
0x58: {  	_ =	shalt  }
0x59: {  	_ =	shalt  }
0x5a: {  	_ =	shalt  }
0x5b: {  	_ =	shalt  }
0x5c: {  	_ =	shalt  }
0x5d: {  	_ =	shalt  }
0x5e: {  	_ =	shalt  }
0x5f: {  	_ =	shalt  }
0x60: {  	_ =	shalt  }
0x61: {  	_ =	shalt  }
0x62: {  	_ =	shalt  }
0x63: {  	_ =	shalt  }
0x64: {  	_ =	shalt  }
0x65: {  	_ =	shalt  }
0x66: {  	_ =	shalt  }
0x67: {  	_ =	shalt  }
0x68: {  	_ =	shalt  }
0x69: {  	_ =	shalt  }
0x6a: {  	_ =	shalt  }
0x6b: {  	_ =	shalt  }
0x6c: {  	_ =	shalt  }
0x6d: {  	_ =	shalt  }
0x6e: {  	_ =	shalt  }
0x6f: {  	_ =	shalt  }
0x70: {  	_ =	shalt  }
0x71: {  	_ =	shalt  }
0x72: {  	_ =	shalt  }
0x73: {  	_ =	shalt  }
0x74: {  	_ =	shalt  }
0x75: {  	_ =	shalt  }
0x76: {  	_ =	shalt  }
0x77: {  	_ =	shalt  }
0x78: {  	_ =	shalt  }
0x79: {  	_ =	shalt  }
0x7a: {  	_ =	shalt  }
0x7b: {  	_ =	shalt  }
0x7c: {  	_ =	shalt  }
0x7d: {  	_ =	shalt  }
0x7e: {  	_ =	shalt  }
0x7f: {  	_ =	shalt  }
0x80: {  	_ =	shalt  }
0x81: {  	_ =	shalt  }
0x82: {  	_ =	shalt  }
0x83: {  	_ =	shalt  }
0x84: {  	_ =	shalt  }
0x85: {  	_ =	shalt  }
0x86: {  	_ =	shalt  }
0x87: {  	_ =	shalt  }
.Lfunc_end0:
.L_simem_size_0:
called_computation_lowered:
.L_overlay_start_0:
0x88: {  	s2 =	sld [smem:$0x3FD9]  }
0x89: {  	s3 =	sld [smem:$0x3FFE];
	_ =	sdelay $0x1  }
0x8a: {  	s1 =	srdreg.scid  }
0x8b: {  	s0 =	sand.u32 $0x1, s1  }
0x8c: {  	s16 =	sshll.u32 s0, $0xA;
	s2 =	sadd.s32 s3, s2  }
0x8d: {  	s2 =	sadd.s32 s2, s16  }
0x8e: {  	[smem:$0x3FC7] =	sst s2  }
0x8f: {  	_ = 	snop  }
0x90: {  	(tm) =	ssettm $0x1  }
0x91: {  	s17 =	sld [smem:$0x3FFB];
	_ =	sdelay $0x3  }
0x92: {  	_ =	strace s17  }
0x93: {  	s2 =	sld [smem:$0x3FFC];
	_ =	sdelay $0x3  }
0x94: {  	_ =	strace s2  }
0x95: {  	s2 =	sld [smem:$0x3FFD];
	_ =	sdelay $0x3  }
0x96: {  	_ =	strace s2  }
0x97: {  	_ =	strace $0x8FFFFFFF  }
0x98: {  	s18 =	sld [smem:$0x3FDB];
	_ =	sdelay $0x1  }
0x99: {  	s19 =	simm.s32 $_scs_section_size  }
0x9a: {  	s4 =	simm.s32 $_size__tile_overlayer_lowered;
	s5 =	simm.s32 $_tile_overlayer_lowered  }
0x9b: {  	s22 =	simm.s32 $0x1BFF;
	s21 =	sshll.u32 s5, $0x1;
	s2 =	sadd.s32 s19, s18  }
0x9c: {  	s6 =	simm.s32 $0x0;
	s20 =	sshll.u32 s4, $0x1;
	s4 =	sadd.s32 s21, s2  }
0x9d: {  	[timem:s6], [sflag:s22] =	dma.local [hbm:s4], s20  }
0x9e: {  	_ =	swait.ge [sflag:s22], s20  }
0x9f: {  	s3 =	ssub.s32 $0x0, s20;
	[sflag:s22] =	ssyncset.done $0x0  }
0xa0: {  	[sflag:s22] =	ssyncadd.s32 s3;
	_ =	sdelay $0x1  }
0xa1: {  	s23 =	simm.s32 $0x1B8B  }
0xa2: {  	_ =	swait.ge [sflag:s23], $0x1  }
0xa3: {  	[sflag:s23] =	ssyncset.done $0x0  }
0xa4: {  	s25 =	simm.s32 $0x1B8E;
	s24 =	sld [smem:$0x3FFE];
	[sflag:s23] =	ssyncadd.s32 $0xFFFFFFFF  }
0xa5: {  	s26 =	simm.s32 $execute0_lowered;
	[smem:$0x3FD2] =	sst s25  }
0xa6: {  	s4 =	sshll.u32 s26, $0x1;
	_ =	strace $0x80000046;
	[dreg:$0x1] =	wrdreg $0xFFFFFFFF  }
0xa7: {  	s28 =	simm.s32 $_size_execute0_lowered;
	s2 =	sadd.s32 s2, s4;
	[dreg:$0x0] =	wrdreg $0x0  }
0xa8: {  	s4 =	sshll.u32 s28, $0x1;
	[dreg:$0x2] =	wrdreg s2  }
0xa9: {  	[dreg:$0x3] =	wrdreg s4  }
0xaa: {  	[dreg:$0x4] =	wrdreg $0xC0  }
0xab: {  	_ =	task [dreg:s6], $0x5FFFF  }
0xac: {  	[dreg:$0x1] =	wrdreg $0xFFFFFFFF  }
0xad: {  	[dreg:$0x0] =	wrdreg $0x60  }
0xae: {  	[dreg:$0x2] =	wrdreg s24  }
0xaf: {  	[dreg:$0x3] =	wrdreg $0x9  }
0xb0: {  	_ =	task.clear_ibuf [dreg:s6], $0x4FFFF;
	_ =	strace $0x90000046  }
0xb1: {  	s29 =	simm.s32 $0x9;
	_ =	strace $0x80000048  }
0xb2: {  	_ =	swait.ge [sflag:s29], $0x1  }
0xb3: {  	[sflag:s29] =	ssyncadd.s32 $0xFFFFFFFF  }
0xb4: {  	_ =	strace $0x90000048  }
0xb5: {  	_ =	sfence  }
0xb6: {  	s30 =	sld [smem:$0x0];
	_ =	sdelay $0x2  }
0xb7: {  	s31 =	sshll.u32 s1, $0xD;
	s1 =	sshrl.u32 s1, $0x2  }
0xb8: {  	s3 =	sand.u32 $0x4000, s31;
	s1 =	sadd.s32 s1, s30  }
0xb9: {  	s0 =	sor.u32 s3, s0;
	s1 =	sshll.u32 s1, $0x11  }
0xba: {  	s0 =	sor.u32 s1, s0  }
0xbb: {  	s0 =	sadd.s32 $0x8F2B, s0  }
0xbc: {  	[sflag:s0] =	ssyncadd.remote.s32 $0x1  }
0xbd: {  	_ =	sfence.sel $0xFFFF  }
0xbe: {  	[dreg:$0x0] =	wrdreg $0xFFFFFFFF;
	(pc) =	sbr.abs _section_cstart, $3  }
0xbf: {  	[dreg:$0x1] =	wrdreg $0xFFFFFFFF  }
0xc0: {  	_ =	task.clear_ibuf [dreg:s6], $0x2FFFF;
	_ =	strace $0x9FFFFFFF  }
0xc1: {  	(tm) =	ssettm $0x7FFFFFFF  }
tec
execute0_lowered:
.L_overlay_start_1:
0x0: {  	(tag) =	ssettag $0x1  }
0x1: {  	s4 =	rddreg [dreg:$0x0]  }
0x2: {  	s0 =	rddreg [dreg:$0x1]  }
0x3: {  	s1 =	simm.s32 $0x0;
	s2 =	srdreg.scid;
	s8 =	simm.s32 $0x1  }
0x4: {  	s9 =	simm.s32 $0x0;
	[smem:$0x7FF] =	sst s1;
	s5 =	sand.u32 $0x1, s2  }
0x5: {  	v0 =	vlaneseq.u32;
	s3 =	sadd.s32 $0x400, s4;
	s2 =	stileid.u32;
	s6 =	ssub.s32 $0x2, s5  }
0x6: {  	v0 =	vmul.u32 $0x408, v0;
	s4 =	sadd.s32 $0x40400, s4;
	_ =	strace $0x80000047;
	s7 =	sshrl.u32 s6, $0x1  }
0x7: {  	s5 =	sshll.u32 s5, $0x11;
	s31 =	sshll.u32 s2, $0xD;
	s6 =	ssub.s32 s6, s7  }
0x8: {  	s5 =	sor.u32 s31, s5;
	v1 =	vadd.s32 $0x4080, v0;
	s7 =	simm.s32 $0x8100;
	s6 =	smax.u32 s6, $0x1  }
.LBB2_1:
0x9: {  	p1 =	por $0x1, $0x1;
	s10 =	simm.s32 $0x0  }
.LBB2_2:
0xa: {  	s10 =	sor.u32 s5, s10  }
0xb: {  	s12 =	simm.s32 $0x0;
	p0 =	por p1, p1;
	s11 =	sadd.s32 s3, s10  }
0xc: {  	s13 =	simm.s32 $0x80;
	s14 =	simm.s32 $0x408;
	s15 =	sadd.s32 $0x0, s11  }
.LBB2_3:
0xd: {  	[tilespmem:s12], [sflag:$0x1] =	stream.linear.gather [hbm4b:s15+s1], $0x400, $0x38;
	[tilespmem:$0x10200] =	vst v63  }
0xe: {  	s15 =	smov.u32 s13;
	s12 =	smov.u32 s14;
	p1 =	sne.s32 s13, $0xF80  }
.Ltmp0:
0xf: {  	s13 =	sadd.s32 $0x80, s13;
	(pc) =	sbr.rel @p1 .LBB2_3-.Ltmp0, $2  }
0x10: {  	_ =	sdelay $0x2  }
0x11: {  	s14 =	sadd.s32 $0x408, s14;
	s15 =	sadd.s32 s15, s11  }
0x12: {  	[tilespmem:s12], [sflag:$0x1] =	stream.linear.gather [hbm4b:s15+s1], $0x400, $0x38;
	[tilespmem:$0x10200] =	vst v63  }
0x13: {  	s11 =	simm.s32 $0x1  }
0x14: {  	_ =	swait.ge [sflag:s11], $0x8000  }
0x15: {  	[sflag:s11] =	ssyncset.done $0x0  }
0x16: {  	[sflag:s11] =	ssyncadd.s32 $0xFFFF8000  }
0x17: {  	v2 =	vld.idx.msk [tilespmem:v0+s1+$0x0], $0xffff;
	_ =	sdelay $0x4  }
0x18: {  	v3 =	vmov s11;
	[tilespmem:v0+s7+$0x0] =	vst.idx.msk $0xffff, v2  }
0x19: {  	s18 =	simm.s32 $0x2;
	v3 =	vand.u32 $0x3FF, v3;
	v4 =	vld.idx.msk [tilespmem:v1+s1+$0x0], $0xffff  }
0x1a: {  	v6 =	vmov s18;
	v5 =	vadd.s32 v0, v3  }
0x1b: {  	s19 =	simm.s32 $0x3;
	v6 =	vand.u32 $0x7FF, v6  }
0x1c: {  	s20 =	simm.s32 $0x4;
	v8 =	vmov s19;
	v7 =	vadd.s32 v0, v6  }
0x1d: {  	s23 =	simm.s32 $0x7;
	v9 =	vmov s20;
	v8 =	vand.u32 $0x7FF, v8  }
0x1e: {  	v17 =	vmov s23;
	v9 =	vand.u32 $0x7FF, v9;
	v10 =	vadd.s32 v0, v8;
	[tilespmem:v1+s7+$0x0] =	vst.idx.msk $0xffff, v4  }
0x1f: {  	s21 =	simm.s32 $0x5;
	v17 =	vand.u32 $0x7FF, v17;
	v13 =	vadd.s32 v0, v9;
	v12 =	vld.idx.msk [tilespmem:v5+s1+$0x0], $0xffff  }
0x20: {  	v11 =	vmov s21;
	v23 =	vadd.s32 v0, v17  }
0x21: {  	s22 =	simm.s32 $0x6;
	v11 =	vand.u32 $0x7FF, v11;
	v16 =	vadd.s32 v1, v3;
	v3 =	vld.idx.msk [tilespmem:v7+s1+$0x0], $0xffff  }
0x22: {  	v15 =	vmov s22;
	v14 =	vadd.s32 v0, v11  }
0x23: {  	v15 =	vand.u32 $0x7FF, v15;
	v6 =	vadd.s32 v1, v6;
	v19 =	vld.idx.msk [tilespmem:v10+s1+$0x0], $0xffff  }
0x24: {  	v18 =	vadd.s32 v0, v15;
	v20 =	vld.idx.msk [tilespmem:v13+s1+$0x0], $0xffff;
	v12 =	vadd.f32 v12, v2  }
0x25: {  	s24 =	simm.s32 $0x8;
	v8 =	vadd.s32 v1, v8;
	[tilespmem:v5+s7+$0x0] =	vst.idx.msk $0xffff, v2;
	v26 =	vld.idx.msk [tilespmem:v23+s1+$0x0], $0xffff  }
0x26: {  	v24 =	vadd.s32 v1, v9;
	v5 =	vmov s24;
	v21 =	vld.idx.msk [tilespmem:v16+s1+$0x0], $0xffff;
	v3 =	vadd.f32 v3, v12  }
0x27: {  	s11 =	simm.s32 $0x9;
	v25 =	vadd.s32 v1, v11;
	v2 =	vld.idx.msk [tilespmem:v14+s1+$0x0], $0xffff;
	[tilespmem:v7+s7+$0x0] =	vst.idx.msk $0xffff, v12;
	v12 =	vand.u32 $0x7FF, v5  }
0x28: {  	s25 =	simm.s32 $0xA;
	v5 =	vmov s11;
	v22 =	vld.idx.msk [tilespmem:v6+s1+$0x0], $0xffff;
	v27 =	vadd.s32 v0, v12;
	[tilespmem:v10+s7+$0x0] =	vst.idx.msk $0xffff, v3;
	v10 =	vadd.f32 v19, v3  }
0x29: {  	[tilespmem:v16+s7+$0x0] =	vst.idx.msk $0xffff, v4;
	v7 =	vld.idx.msk [tilespmem:v18+s1+$0x0], $0xffff;
	v3 =	vadd.s32 v1, v15;
	v15 =	vand.u32 $0x3FF, v5;
	v5 =	vmov s25  }
0x2a: {  	v9 =	vadd.s32 v0, v15;
	[tilespmem:v13+s7+$0x0] =	vst.idx.msk $0xffff, v10;
	v10 =	vadd.f32 v20, v10;
	v20 =	vand.u32 $0x7FF, v5  }
0x2b: {  	s26 =	simm.s32 $0xB;
	v28 =	vld.idx.msk [tilespmem:v8+s1+$0x0], $0xffff;
	v5 =	vadd.s32 v1, v17;
	v13 =	vadd.f32 v21, v4;
	v4 =	vadd.s32 v1, v12  }
0x2c: {  	s28 =	simm.s32 $0xC;
	v16 =	vmov s26;
	v11 =	vadd.s32 v0, v20;
	v17 =	vld.idx.msk [tilespmem:v24+s1+$0x0], $0xffff;
	[tilespmem:v14+s7+$0x0] =	vst.idx.msk $0xffff, v10;
	v2 =	vadd.f32 v2, v10  }
0x2d: {  	v10 =	vmov s28;
	[tilespmem:v6+s7+$0x0] =	vst.idx.msk $0xffff, v13;
	v6 =	vadd.f32 v22, v13;
	v14 =	vand.u32 $0x7FF, v16;
	v16 =	vld.idx.msk [tilespmem:v27+s1+$0x0], $0xffff  }
0x2e: {  	s29 =	simm.s32 $0xD;
	v29 =	vld.idx.msk [tilespmem:v25+s1+$0x0], $0xffff;
	v12 =	vand.u32 $0x7FF, v10;
	v13 =	vadd.s32 v0, v14;
	[tilespmem:v18+s7+$0x0] =	vst.idx.msk $0xffff, v2  }
0x2f: {  	v7 =	vadd.f32 v7, v2;
	v19 =	vld.idx.msk [tilespmem:v9+s1+$0x0], $0xffff;
	v10 =	vadd.s32 v0, v12;
	v2 =	vmov s29;
	[tilespmem:v8+s7+$0x0] =	vst.idx.msk $0xffff, v6  }
0x30: {  	v8 =	vadd.f32 v28, v6;
	v6 =	vadd.s32 v1, v15;
	v22 =	vld.idx.msk [tilespmem:v3+s1+$0x0], $0xffff;
	v15 =	vand.u32 $0x7FF, v2  }
0x31: {  	s30 =	simm.s32 $0xE;
	v2 =	vadd.s32 v1, v12;
	v18 =	vadd.f32 v26, v7;
	v21 =	vld.idx.msk [tilespmem:v11+s1+$0x0], $0xffff;
	[tilespmem:v23+s7+$0x0] =	vst.idx.msk $0xffff, v7  }
0x32: {  	s31 =	simm.s32 $0xF;
	v12 =	vadd.s32 v0, v15;
	v7 =	vadd.s32 v1, v20;
	v20 =	vmov s30;
	[tilespmem:v24+s7+$0x0] =	vst.idx.msk $0xffff, v8;
	v23 =	vld.idx.msk [tilespmem:v5+s1+$0x0], $0xffff  }
0x33: {  	v63 =	vmov s31;
	v20 =	vand.u32 $0x7FF, v20;
	[tilespmem:v27+s7+$0x0] =	vst.idx.msk $0xffff, v18;
	v27 =	vadd.f32 v17, v8;
	v24 =	vld.idx.msk [tilespmem:v13+s1+$0x0], $0xffff  }
0x34: {  	v8 =	vadd.s32 v1, v14;
	v14 =	vadd.s32 v0, v20;
	v26 =	vadd.f32 v16, v18;
	v17 =	vld.idx.msk [tilespmem:v4+s1+$0x0], $0xffff  }
0x35: {  	s13 =	simm.s32 $0x11;
	v16 =	vand.u32 $0x7FF, v63;
	v18 =	vld.idx.msk [tilespmem:v10+s1+$0x0], $0xffff;
	[tilespmem:v25+s7+$0x0] =	vst.idx.msk $0xffff, v27;
	v25 =	vadd.f32 v29, v27  }
.LBB2_5:
0x36: {  	p1 =	slt.u32 s13, $0x3F1  }
0x37: {  	[tilespmem:v9+s7+$0x0] =	vst.idx.msk $0xffff, v26;
	v9 =	vadd.f32 v19, v26;
	v19 =	vld.idx.msk [tilespmem:v12+s1+$0x0], $0xffff;
	v26 =	vadd.s32 v0, v16;
	s12 =	simm.s32 $0x3F9;
	s14 =	smov.u32 s13;
	s13 =	sadd.s32 $0x8, s13  }
0x38: {  	s15 =	sadd.s32 $0x7, s11;
	v27 =	vld.idx.msk [tilespmem:v6+s1+$0x0], $0xffff;
	[tilespmem:v3+s7+$0x0] =	vst.idx.msk $0xffff, v25;
	v22 =	vadd.f32 v22, v25;
	s11 =	smov.u32 s14  }
0x39: {  	v25 =	vadd.s32 v1, v15;
	v3 =	vmov s15;
	[tilespmem:v11+s7+$0x0] =	vst.idx.msk $0xffff, v9;
	v9 =	vadd.f32 v21, v9  }
0x3a: {  	v21 =	vand.u32 $0x7FF, v3;
	v15 =	vld.idx.msk [tilespmem:v14+s1+$0x0], $0xffff;
	[tilespmem:v5+s7+$0x0] =	vst.idx.msk $0xffff, v22  }
0x3b: {  	v3 =	vadd.s32 v1, v20;
	v5 =	vmov s11;
	v11 =	vadd.f32 v23, v22;
	v28 =	vld.idx.msk [tilespmem:v7+s1+$0x0], $0xffff;
	[tilespmem:v13+s7+$0x0] =	vst.idx.msk $0xffff, v9  }
0x3c: {  	s14 =	sadd.s32 $0x1, s11;
	v20 =	vand.u32 $0x3FF, v5;
	v5 =	vadd.f32 v24, v9;
	v24 =	vadd.s32 v0, v21;
	v23 =	vld.idx.msk [tilespmem:v26+s1+$0x0], $0xffff  }
0x3d: {  	v13 =	vmov s14;
	v9 =	vadd.s32 v0, v20;
	v22 =	vld.idx.msk [tilespmem:v8+s1+$0x0], $0xffff;
	[tilespmem:v4+s7+$0x0] =	vst.idx.msk $0xffff, v11;
	v4 =	vadd.f32 v17, v11  }
0x3e: {  	s14 =	sadd.s32 $0x2, s11;
	v17 =	vand.u32 $0x7FF, v13;
	[tilespmem:v10+s7+$0x0] =	vst.idx.msk $0xffff, v5;
	v10 =	vadd.f32 v18, v5;
	v5 =	vadd.s32 v1, v16  }
0x3f: {  	v13 =	vmov s14;
	v11 =	vadd.s32 v0, v17;
	[tilespmem:v6+s7+$0x0] =	vst.idx.msk $0xffff, v4;
	v6 =	vadd.f32 v27, v4;
	v16 =	vld.idx.msk [tilespmem:v2+s1+$0x0], $0xffff  }
0x40: {  	s14 =	sadd.s32 $0x3, s11;
	v18 =	vand.u32 $0x7FF, v13;
	v4 =	vadd.s32 v1, v21;
	[tilespmem:v12+s7+$0x0] =	vst.idx.msk $0xffff, v10;
	v10 =	vadd.f32 v19, v10  }
0x41: {  	v13 =	vadd.s32 v0, v18;
	v12 =	vmov s14;
	[tilespmem:v7+s7+$0x0] =	vst.idx.msk $0xffff, v6;
	v6 =	vadd.f32 v28, v6;
	v27 =	vld.idx.msk [tilespmem:v25+s1+$0x0], $0xffff  }
0x42: {  	s14 =	sadd.s32 $0x4, s11;
	v7 =	vand.u32 $0x7FF, v12;
	[tilespmem:v14+s7+$0x0] =	vst.idx.msk $0xffff, v10;
	v14 =	vadd.f32 v15, v10;
	v28 =	vld.idx.msk [tilespmem:v24+s1+$0x0], $0xffff  }
0x43: {  	v12 =	vmov s14;
	v10 =	vadd.s32 v0, v7;
	v19 =	vld.idx.msk [tilespmem:v9+s1+$0x0], $0xffff;
	[tilespmem:v8+s7+$0x0] =	vst.idx.msk $0xffff, v6;
	v8 =	vadd.f32 v22, v6  }
0x44: {  	s14 =	sadd.s32 $0x5, s11;
	v15 =	vand.u32 $0x7FF, v12;
	v6 =	vadd.s32 v1, v20;
	v22 =	vld.idx.msk [tilespmem:v3+s1+$0x0], $0xffff;
	v29 =	vadd.f32 v23, v14  }
.Ltmp1:
0x45: {  	v30 =	vadd.s32 v1, v7;
	v12 =	vadd.s32 v0, v15;
	v21 =	vld.idx.msk [tilespmem:v11+s1+$0x0], $0xffff;
	[tilespmem:v26+s7+$0x0] =	vst.idx.msk $0xffff, v14;
	(pc) =	sbr.rel @p1 .LBB2_5-.Ltmp1, $4  }
0x46: {  	v7 =	vadd.s32 v1, v17;
	v14 =	vmov s14;
	s14 =	sadd.s32 $0x6, s11;
	v31 =	vadd.f32 v16, v8;
	v23 =	vld.idx.msk [tilespmem:v5+s1+$0x0], $0xffff;
	[tilespmem:v24+s7+$0x0] =	vst.idx.msk $0xffff, v29  }
0x47: {  	v20 =	vand.u32 $0x7FF, v14;
	v16 =	vmov s14;
	[tilespmem:v2+s7+$0x0] =	vst.idx.msk $0xffff, v8;
	v17 =	vld.idx.msk [tilespmem:v4+s1+$0x0], $0xffff;
	v2 =	vmov v30  }
0x48: {  	v8 =	vadd.s32 v1, v18;
	v14 =	vadd.s32 v0, v20;
	v26 =	vadd.f32 v28, v29;
	v24 =	vld.idx.msk [tilespmem:v13+s1+$0x0], $0xffff  }
0x49: {  	v16 =	vand.u32 $0x7FF, v16;
	v18 =	vld.idx.msk [tilespmem:v10+s1+$0x0], $0xffff;
	[tilespmem:v25+s7+$0x0] =	vst.idx.msk $0xffff, v31;
	v25 =	vadd.f32 v27, v31  }
0x4a: {  	_ =	sdelay $0x3  }
0x4b: {  	[tilespmem:v9+s7+$0x0] =	vst.idx.msk $0xffff, v26;
	v44 =	vadd.f32 v19, v26;
	v45 =	vadd.f32 v22, v25  }
0x4c: {  	v46 =	vadd.s32 v0, v16;
	v47 =	vld.idx.msk [tilespmem:v6+s1+$0x0], $0xffff  }
0x4d: {  	v27 =	vld.idx.msk [tilespmem:v12+s1+$0x0], $0xffff;
	[tilespmem:v11+s7+$0x0] =	vst.idx.msk $0xffff, v44;
	v9 =	vadd.f32 v21, v44;
	v48 =	vadd.f32 v23, v45  }
0x4e: {  	v15 =	vadd.s32 v1, v15;
	v49 =	vld.idx.msk [tilespmem:v7+s1+$0x0], $0xffff  }
0x4f: {  	v51 =	vld.idx.msk [tilespmem:v14+s1+$0x0], $0xffff;
	[tilespmem:v13+s7+$0x0] =	vst.idx.msk $0xffff, v9;
	v9 =	vadd.f32 v24, v9;
	v17 =	vadd.f32 v17, v48  }
0x50: {  	v20 =	vadd.s32 v1, v20;
	[tilespmem:v3+s7+$0x0] =	vst.idx.msk $0xffff, v25;
	v52 =	vld.idx.msk [tilespmem:v8+s1+$0x0], $0xffff  }
0x51: {  	s11 =	sadd.s32 $0x7, s11;
	v53 =	vld.idx.msk [tilespmem:v46+s1+$0x0], $0xffff;
	[tilespmem:v10+s7+$0x0] =	vst.idx.msk $0xffff, v9;
	v9 =	vadd.f32 v18, v9;
	v54 =	vadd.f32 v47, v17  }
0x52: {  	v55 =	vadd.s32 v1, v16;
	v50 =	vmov s11;
	[tilespmem:v5+s7+$0x0] =	vst.idx.msk $0xffff, v45;
	v56 =	vld.idx.msk [tilespmem:v2+s1+$0x0], $0xffff  }
0x53: {  	v3 =	vand.u32 $0x7FF, v50;
	[tilespmem:v12+s7+$0x0] =	vst.idx.msk $0xffff, v9;
	v9 =	vadd.f32 v27, v9;
	v57 =	vadd.f32 v49, v54  }
0x54: {  	v5 =	vadd.s32 v0, v3;
	v3 =	vadd.s32 v1, v3;
	[tilespmem:v4+s7+$0x0] =	vst.idx.msk $0xffff, v48;
	v4 =	vld.idx.msk [tilespmem:v15+s1+$0x0], $0xffff  }
0x55: {  	[tilespmem:v14+s7+$0x0] =	vst.idx.msk $0xffff, v9;
	v9 =	vadd.f32 v51, v9;
	v58 =	vadd.f32 v52, v57  }
0x56: {  	[tilespmem:v6+s7+$0x0] =	vst.idx.msk $0xffff, v17;
	v59 =	vld.idx.msk [tilespmem:v20+s1+$0x0], $0xffff  }
0x57: {  	v61 =	vadd.f32 v53, v9;
	[tilespmem:v46+s7+$0x0] =	vst.idx.msk $0xffff, v9;
	v62 =	vadd.f32 v56, v58  }
0x58: {  	[tilespmem:v7+s7+$0x0] =	vst.idx.msk $0xffff, v54;
	v63 =	vld.idx.msk [tilespmem:v55+s1+$0x0], $0xffff  }
0x59: {  	v60 =	vld.idx.msk [tilespmem:v5+s1+$0x0], $0xffff;
	[tilespmem:v5+s7+$0x0] =	vst.idx.msk $0xffff, v61;
	v4 =	vadd.f32 v4, v62  }
0x5a: {  	[tilespmem:v8+s7+$0x0] =	vst.idx.msk $0xffff, v57;
	v5 =	vld.idx.msk [tilespmem:v3+s1+$0x0], $0xffff  }
0x5b: {  	[tilespmem:v2+s7+$0x0] =	vst.idx.msk $0xffff, v58;
	v2 =	vadd.f32 v59, v4  }
0x5c: {  	[tilespmem:v15+s7+$0x0] =	vst.idx.msk $0xffff, v62  }
0x5d: {  	[tilespmem:v20+s7+$0x0] =	vst.idx.msk $0xffff, v4;
	v4 =	vadd.f32 v63, v2  }
0x5e: {  	[tilespmem:v55+s7+$0x0] =	vst.idx.msk $0xffff, v2  }
0x5f: {  	v2 =	vadd.f32 v60, v61;
	[tilespmem:v3+s7+$0x0] =	vst.idx.msk $0xffff, v4;
	v3 =	vadd.f32 v5, v4  }
.LBB2_7:
0x60: {  	v4 =	vmov s12  }
0x61: {  	v4 =	vand.u32 $0x3FF, v4  }
0x62: {  	v5 =	vadd.s32 v0, v4  }
0x63: {  	v4 =	vadd.s32 v1, v4;
	_ =	sdelay $0x3  }
0x64: {  	v6 =	vld.idx.msk [tilespmem:v5+s1+$0x0], $0xffff;
	[tilespmem:v5+s7+$0x0] =	vst.idx.msk $0xffff, v2  }
0x65: {  	p1 =	sne.s32 s12, $0x3FF;
	v5 =	vld.idx.msk [tilespmem:v4+s1+$0x0], $0xffff  }
.Ltmp2:
0x66: {  	_ = 	snop;
	(pc) =	sbr.rel @p1 .LBB2_7-.Ltmp2, $2  }
0x67: {  	_ =	sdelay $0x2  }
0x68: {  	s12 =	sadd.s32 $0x1, s12;
	[tilespmem:v4+s7+$0x0] =	vst.idx.msk $0xffff, v3;
	v2 =	vadd.f32 v6, v2;
	v3 =	vadd.f32 v5, v3  }
0x69: {  	s10 =	sadd.s32 s4, s10;
	s11 =	simm.s32 $0x8100  }
0x6a: {  	s12 =	simm.s32 $0x80;
	s13 =	simm.s32 $0x8508;
	s14 =	sadd.s32 $0x0, s10  }
.LBB2_9:
0x6b: {  	[hbm4b:s14+s1] =	stream.linear.scatter [tilespmem:s11], [sflag:$0x1], $0x400, $0x38;
	[tilespmem:$0x10200] =	vst v63  }
0x6c: {  	s14 =	smov.u32 s12;
	s11 =	smov.u32 s13;
	p1 =	sne.s32 s12, $0xF80  }
.Ltmp3:
0x6d: {  	s12 =	sadd.s32 $0x80, s12;
	(pc) =	sbr.rel @p1 .LBB2_9-.Ltmp3, $2  }
0x6e: {  	_ =	sdelay $0x2  }
0x6f: {  	s13 =	sadd.s32 $0x408, s13;
	s14 =	sadd.s32 s14, s10  }
.Ltmp4:
0x70: {  	(pc) =	sbr.rel @p0 .LBB2_2-.Ltmp4, $4  }
0x71: {  	[hbm4b:s14+s1] =	stream.linear.scatter [tilespmem:s11], [sflag:$0x1], $0x400, $0x38;
	[tilespmem:$0x10200] =	vst v63  }
0x72: {  	_ =	swait.ge [sflag:s8], $0x8000  }
0x73: {  	[sflag:s8] =	ssyncset.done $0x0  }
0x74: {  	s10 =	simm.s32 $0x1000;
	p1 =	por $0x0, $0x0;
	[sflag:s8] =	ssyncadd.s32 $0xFFFF8000  }
0x75: {  	s9 =	sadd.s32 $0x1, s9  }
0x76: {  	p0 =	sne.s32 s9, s6  }
.Ltmp5:
0x77: {  	_ = 	snop;
	(pc) =	sbr.rel @p0 .LBB2_1-.Ltmp5, $1  }
0x78: {  	_ =	sdelay $0x3  }
0x79: {  	_ =	sfence.sel $0x180000  }
0x7a: {  	[bflag:$0x0] =	sbarrier.arrive $0xFFFF  }
0x7b: {  	p0 =	sne.s32 s2, $0x0;
	_ =	strace $0x90000047  }
0x7c: {  	s0 =	sadd.s32 @!p0 $0x100000, s0;
	[bflag:$0x2] =	sbarrier.arrive $0xFFFF  }
0x7d: {  	[sflag:s0] =	ssyncadd.tile.s32 @!p0 $0x1;
	_ =	shalt  }
.Lfunc_end2:
_tile_overlayer_lowered:
.L_overlay_start_2:
0x7e: {  	(tag) =	ssettag $0x2  }
0x7f: {  	s0 =	rddreg [dreg:$0x0];
	s2 =	stileid.u32  }
0x80: {  	s1 =	rddreg [dreg:$0x1];
	p0 =	sne.s32 s2, $0x0  }
0x81: {  	s3 =	rddreg [dreg:$0x2];
	[bflag:$0x3] =	sbarrier.arrive $0xFFFF;
	s2 =	simm.s32 @!p0 $0x1C01  }
0x82: {  	[timem:s3], [sflag:s2] =	dma.local @!p0 [hbm:s0], s1  }
0x83: {  	s0 =	simm.s32 @!p0 $0x1  }
0x84: {  	_ =	swait.ge @!p0 [sflag:s0], s1  }
0x85: {  	s1 =	ssub.s32 @!p0 $0x0, s1;
	[sflag:s0] =	ssyncset.done @!p0 $0x0  }
0x86: {  	[sflag:s0] =	ssyncadd.s32 @!p0 s1  }
0x87: {  	[bflag:$0x3] =	sbarrier.arrive $0xFFFF  }
0x88: {  	_ =	shalt  }

</sc_bundles>
